<compile_context>
chip_gen: v7x
topology: tpu7x:2x2x1
jax: 0.10.2.dev20260603
libtpu: 0.0.44.dev20260713+nightly
codegen_flags: <defaults>
</compile_context>

<pallas_src>
import functools

import jax
import jax.numpy as jnp
from jax import lax
from jax.experimental import pallas as pl
from jax.experimental.pallas import tpu as pltpu
from jax.experimental.pallas import tpu_sc as plsc

D = 32
NUM_CODES = 8192
NUM_TOKENS = 8192
TBLK = 512
CBLK = 2048

NC = 2
NS = 16
NW = NC * NS
BPW = NUM_TOKENS // NW
LANES = 16


def _argmin_body(x_ref, x2_ref, embt_ref, idx_ref):
    x = x_ref[...]
    x2 = x2_ref[...]
    xb2 = (x_ref[...].astype(jnp.bfloat16) * jnp.bfloat16(2.0))
    run_m = jnp.full((TBLK,), jnp.inf, dtype=jnp.float32)
    best_i = jnp.zeros((TBLK,), dtype=jnp.int32)
    for k in range(NUM_CODES // CBLK):
        e = embt_ref[:, k * CBLK:(k + 1) * CBLK]
        e2 = jnp.sum(e * e, axis=0)
        mm2 = jnp.dot(xb2, e.astype(jnp.bfloat16),
                      preferred_element_type=jnp.float32)
        sc = (x2 + e2[None, :]) - mm2
        m = jnp.min(sc, axis=1)
        a = jnp.argmin(sc, axis=1).astype(jnp.int32)
        better = m < run_m
        best_i = jnp.where(better, a + k * CBLK, best_i)
        m_st = m.astype(jnp.bfloat16).astype(jnp.float32)
        run_m = jnp.where(better, m_st, run_m)
    idx_ref[...] = best_i.reshape(1, TBLK // 128, 128)


def _tc_argmin(flat_x, x2, embt):
    grid = NUM_TOKENS // TBLK
    idx2d = pl.pallas_call(
        _argmin_body,
        grid=(grid,),
        in_specs=[
            pl.BlockSpec((TBLK, D), lambda i: (i, 0)),
            pl.BlockSpec((TBLK, 1), lambda i: (i, 0)),
            pl.BlockSpec((D, NUM_CODES), lambda i: (0, 0)),
        ],
        out_specs=pl.BlockSpec((1, TBLK // 128, 128), lambda i: (i, 0, 0)),
        out_shape=jax.ShapeDtypeStruct((grid, TBLK // 128, 128), jnp.int32),
    )(flat_x, x2, embt)
    return idx2d.reshape(-1)


def _sc_decode_body(emb_hbm, idx_hbm, x_hbm, q_hbm, part_hbm,
                    idx_v, rows_v, x_v, out_v, acc_v, sem):
    wid = lax.axis_index("s") * NC + lax.axis_index("c")
    base = wid * BPW
    pltpu.sync_copy(idx_hbm.at[pl.ds(base, BPW)], idx_v)
    pltpu.sync_copy(x_hbm.at[pl.ds(base, BPW)], x_v)
    copies = [
        pltpu.make_async_copy(
            emb_hbm.at[idx_v.at[pl.ds(j * 128, 128)]],
            rows_v.at[pl.ds(j * 128, 128)],
            sem,
        )
        for j in range(BPW // 128)
    ]
    for c in copies:
        c.start()
    for c in copies:
        c.wait()
    acc_v[...] = jnp.zeros((LANES,), jnp.float32)

    def body(i, carry):
        for h in range(D // LANES):
            s = pl.ds(h * LANES, LANES)
            q = rows_v[i, s]
            xv = x_v[i, s]
            qq = xv + (q - xv)
            r = qq - xv
            acc_v[...] += r * r
            out_v[i, s] = qq
        return carry

    lax.fori_loop(0, BPW, body, 0)
    pltpu.sync_copy(out_v, q_hbm.at[pl.ds(base, BPW)])
    pltpu.sync_copy(acc_v, part_hbm.at[wid])


@functools.cache
def _sc_decode():
    return pl.kernel(
        _sc_decode_body,
        out_type=(
            jax.ShapeDtypeStruct((NUM_TOKENS, D), jnp.float32),
            jax.ShapeDtypeStruct((NW, LANES), jnp.float32),
        ),
        mesh=plsc.VectorSubcoreMesh(
            core_axis_name="c", subcore_axis_name="s",
            num_cores=NC, num_subcores=NS),
        scratch_types=[
            pltpu.VMEM((BPW,), jnp.int32),
            pltpu.VMEM((BPW, 128), jnp.float32),
            pltpu.VMEM((BPW, D), jnp.float32),
            pltpu.VMEM((BPW, D), jnp.float32),
            pltpu.VMEM((LANES,), jnp.float32),
            pltpu.SemaphoreType.DMA,
        ],
    )


def kernel(x, embedding_weight):
    flat_x = x.reshape(-1, D)
    embt = embedding_weight.T
    x2 = jnp.sum(flat_x ** 2, axis=1, keepdims=True)
    idx = _tc_argmin(flat_x, x2, embt)
    emb_pad = jnp.pad(embedding_weight, ((0, 0), (0, 128 - D)))
    q, part = _sc_decode()(emb_pad, idx, flat_x)
    quantized = q.reshape(x.shape)
    diff = jnp.sum(part) / (NUM_TOKENS * D)
    return quantized, diff

# --- scband reference (transcript-rebuilt; emitter-appended) ---
"""Pipeline reference for scband-som-layer-26517128086090 (READ-ONLY COPY).

The authoritative reference and input builder live on the scoring server;
editing this copy changes nothing except your own understanding.
"""

import jax, jax.numpy as jnp
import numpy as np

WIDTH = 128
HEIGHT = 64
EMBED_DIM = 32
NUM_EMB = WIDTH * HEIGHT


def setup_inputs(seed: int = 0) -> dict:
    key = jax.random.key(seed)
    k1, k2 = jax.random.split(key)
    x = jax.random.normal(k1, (8, 1024, EMBED_DIM), dtype=jnp.float32)
    embedding_weight = jax.random.uniform(
        k2, (NUM_EMB, EMBED_DIM), minval=-0.1, maxval=0.1, dtype=jnp.float32
    )
    return {"x": x, "embedding_weight": embedding_weight}


def reference(x, embedding_weight):
    d = embedding_weight.shape[1]
    flat_input = x.reshape(-1, d)
    # squared L2 distances to every codebook entry
    distances = (
        jnp.sum(flat_input ** 2, axis=1, keepdims=True)
        + jnp.sum(embedding_weight ** 2, axis=1)
        - 2.0 * jnp.matmul(flat_input, embedding_weight.T)
    )
    bmu_indices = jnp.argmin(distances, axis=1)
    quantized_raw = jnp.take(embedding_weight, bmu_indices, axis=0).reshape(x.shape)
    # straight-through estimator: quantized = input + (quantized - input).detach()
    quantized = x + jax.lax.stop_gradient(quantized_raw - x)
    # diff = (quantized.detach() - input).pow(2).mean()
    diff = jnp.mean((jax.lax.stop_gradient(quantized) - x) ** 2)
    return (quantized, diff)

if __name__ == "__main__":
    import jax
    _d = setup_inputs()
    print(jax.jit(kernel)(*tuple(_d.values())))

</pallas_src>

<mosaic_0001>
#map = affine_map<(d0, d1) -> (0, 0)>
#map1 = affine_map<(d0, d1) -> (0)>
module attributes {stable_mosaic.version = 14 : i64} {
  func.func @_sc_decode_body(%arg0: i32, %arg1: i32, %arg2: memref<8192x128xf32, #tpu.memory_space<hbm>>, %arg3: memref<8192xi32, #tpu.memory_space<hbm>>, %arg4: memref<8192x32xf32, #tpu.memory_space<hbm>>, %arg5: memref<8192x32xf32, #tpu.memory_space<hbm>>, %arg6: memref<32x16xf32, #tpu.memory_space<hbm>>, %arg7: memref<256xi32, #tpu.memory_space<vmem>>, %arg8: memref<256x128xf32, #tpu.memory_space<vmem>>, %arg9: memref<256x32xf32, #tpu.memory_space<vmem>>, %arg10: memref<256x32xf32, #tpu.memory_space<vmem>>, %arg11: memref<16xf32, #tpu.memory_space<vmem>>, %arg12: memref<!tpu.dma_semaphore, #tpu.memory_space<semaphore_mem>>) attributes {dimension_semantics = [#tpu.dimension_semantics<core_parallel>, #tpu.dimension_semantics<subcore_parallel>], iteration_bounds = array<i64: 2, 16>, scalar_prefetch = 0 : i64, scratch_operands = 6 : i64, tpu.core_type = #tpu.core_type<sc_vector_subcore>, window_params = [{transform_indices = #map}, {transform_indices = #map1}, {transform_indices = #map}, {transform_indices = #map}, {transform_indices = #map}]} {
    %mul3A = arith.constant 2 : i32
    %mul3A_0 = arith.muli %arg1, %mul3A : i32
    %add3A = arith.addi %mul3A_0, %arg0 : i32
    %mul3A_1 = arith.constant 256 : i32
    %mul3A_2 = arith.muli %add3A, %mul3A_1 : i32
    "tpu.region"() ({
      %run_scoped3A = tpu.sem_alloc : memref<!tpu.dma_semaphore, #tpu.memory_space<semaphore_mem>>
      %dma_start3A_42 = tpu.memref_slice %arg3[%mul3A_2] : memref<8192xi32, #tpu.memory_space<hbm>> -> memref<256xi32, #tpu.memory_space<hbm>>
      %dma_start3A_43 = tpu.memref_slice %arg3[%mul3A_2] : memref<8192xi32, #tpu.memory_space<hbm>> -> memref<256xi32, #tpu.memory_space<hbm>>
      tpu.enqueue_dma source(%dma_start3A_43 : memref<256xi32, #tpu.memory_space<hbm>>) target(%arg7 : memref<256xi32, #tpu.memory_space<vmem>>) target_semaphore(%run_scoped3A : memref<!tpu.dma_semaphore, #tpu.memory_space<semaphore_mem>>)
      %dma_wait3A_44 = tpu.memref_slice %arg3[%mul3A_2] : memref<8192xi32, #tpu.memory_space<hbm>> -> memref<256xi32, #tpu.memory_space<hbm>>
      %dma_wait3A_45 = tpu.memref_slice %arg3[%mul3A_2] : memref<8192xi32, #tpu.memory_space<hbm>> -> memref<256xi32, #tpu.memory_space<hbm>>
      tpu.wait_dma2 semaphore(%run_scoped3A : memref<!tpu.dma_semaphore, #tpu.memory_space<semaphore_mem>>) src(%dma_wait3A_45 : memref<256xi32, #tpu.memory_space<hbm>>) dst(%arg7 : memref<256xi32, #tpu.memory_space<vmem>>)
      tpu.yield
    }) : () -> ()
    "tpu.region"() ({
      %run_scoped3A = tpu.sem_alloc : memref<!tpu.dma_semaphore, #tpu.memory_space<semaphore_mem>>
      %dma_start3A_42 = arith.constant 0 : i32
      %dma_start3A_43 = tpu.memref_slice %arg4[%mul3A_2, %dma_start3A_42] : memref<8192x32xf32, #tpu.memory_space<hbm>> -> memref<256x32xf32, #tpu.memory_space<hbm>>
      %dma_start3A_44 = arith.constant 0 : i32
      %dma_start3A_45 = tpu.memref_slice %arg4[%mul3A_2, %dma_start3A_44] : memref<8192x32xf32, #tpu.memory_space<hbm>> -> memref<256x32xf32, #tpu.memory_space<hbm>>
      tpu.enqueue_dma source(%dma_start3A_45 : memref<256x32xf32, #tpu.memory_space<hbm>>) target(%arg9 : memref<256x32xf32, #tpu.memory_space<vmem>>) target_semaphore(%run_scoped3A : memref<!tpu.dma_semaphore, #tpu.memory_space<semaphore_mem>>)
      %dma_wait3A_46 = arith.constant 0 : i32
      %dma_wait3A_47 = tpu.memref_slice %arg4[%mul3A_2, %dma_wait3A_46] : memref<8192x32xf32, #tpu.memory_space<hbm>> -> memref<256x32xf32, #tpu.memory_space<hbm>>
      %dma_wait3A_48 = arith.constant 0 : i32
      %dma_wait3A_49 = tpu.memref_slice %arg4[%mul3A_2, %dma_wait3A_48] : memref<8192x32xf32, #tpu.memory_space<hbm>> -> memref<256x32xf32, #tpu.memory_space<hbm>>
      tpu.wait_dma2 semaphore(%run_scoped3A : memref<!tpu.dma_semaphore, #tpu.memory_space<semaphore_mem>>) src(%dma_wait3A_49 : memref<256x32xf32, #tpu.memory_space<hbm>>) dst(%arg9 : memref<256x32xf32, #tpu.memory_space<vmem>>)
      tpu.yield
    }) : () -> ()
    %dma_start3A = arith.constant 0 : i32
    %dma_start3A_3 = arith.constant 0 : i32
    %dma_start3A_4 = tpu.memref_slice %arg8[%dma_start3A, %dma_start3A_3] : memref<256x128xf32, #tpu.memory_space<vmem>> -> memref<128x128xf32, #tpu.memory_space<vmem>>
    %dma_start3A_5 = arith.constant 0 : i32
    %dma_start3A_6 = tpu.memref_slice %arg7[%dma_start3A_5] : memref<256xi32, #tpu.memory_space<vmem>> -> memref<128xi32, #tpu.memory_space<vmem>>
    %dma_start3A_7 = arith.constant 0 : i32
    %dma_start3A_8 = arith.constant 0 : i32
    %dma_start3A_9 = tpu.memref_slice %arg2[%dma_start3A_7, %dma_start3A_8] : memref<8192x128xf32, #tpu.memory_space<hbm>> -> memref<8192x128xf32, #tpu.memory_space<hbm>>
    tpu.enqueue_indirect_dma source(%dma_start3A_9 : memref<8192x128xf32, #tpu.memory_space<hbm>>) target(%dma_start3A_4 : memref<128x128xf32, #tpu.memory_space<vmem>>) offsets(%dma_start3A_6 : memref<128xi32, #tpu.memory_space<vmem>>) semaphore(%arg12 : memref<!tpu.dma_semaphore, #tpu.memory_space<semaphore_mem>>)
    %dma_start3A_10 = arith.constant 128 : i32
    %dma_start3A_11 = arith.constant 0 : i32
    %dma_start3A_12 = tpu.memref_slice %arg8[%dma_start3A_10, %dma_start3A_11] : memref<256x128xf32, #tpu.memory_space<vmem>> -> memref<128x128xf32, #tpu.memory_space<vmem>>
    %dma_start3A_13 = arith.constant 128 : i32
    %dma_start3A_14 = tpu.memref_slice %arg7[%dma_start3A_13] : memref<256xi32, #tpu.memory_space<vmem>> -> memref<128xi32, #tpu.memory_space<vmem>>
    %dma_start3A_15 = arith.constant 0 : i32
    %dma_start3A_16 = arith.constant 0 : i32
    %dma_start3A_17 = tpu.memref_slice %arg2[%dma_start3A_15, %dma_start3A_16] : memref<8192x128xf32, #tpu.memory_space<hbm>> -> memref<8192x128xf32, #tpu.memory_space<hbm>>
    tpu.enqueue_indirect_dma source(%dma_start3A_17 : memref<8192x128xf32, #tpu.memory_space<hbm>>) target(%dma_start3A_12 : memref<128x128xf32, #tpu.memory_space<vmem>>) offsets(%dma_start3A_14 : memref<128xi32, #tpu.memory_space<vmem>>) semaphore(%arg12 : memref<!tpu.dma_semaphore, #tpu.memory_space<semaphore_mem>>)
    %dma_wait3A = arith.constant 0 : i32
    %dma_wait3A_18 = arith.constant 0 : i32
    %dma_wait3A_19 = tpu.memref_slice %arg8[%dma_wait3A, %dma_wait3A_18] : memref<256x128xf32, #tpu.memory_space<vmem>> -> memref<128x128xf32, #tpu.memory_space<vmem>>
    %dma_wait3A_20 = arith.constant 0 : i32
    %dma_wait3A_21 = tpu.memref_slice %arg7[%dma_wait3A_20] : memref<256xi32, #tpu.memory_space<vmem>> -> memref<128xi32, #tpu.memory_space<vmem>>
    %dma_wait3A_22 = arith.constant 0 : i32
    %dma_wait3A_23 = arith.constant 0 : i32
    %dma_wait3A_24 = tpu.memref_slice %arg2[%dma_wait3A_22, %dma_wait3A_23] : memref<8192x128xf32, #tpu.memory_space<hbm>> -> memref<8192x128xf32, #tpu.memory_space<hbm>>
    tpu.wait_indirect_dma semaphore(%arg12 : memref<!tpu.dma_semaphore, #tpu.memory_space<semaphore_mem>>) src(%dma_wait3A_24 : memref<8192x128xf32, #tpu.memory_space<hbm>>) dst(%dma_wait3A_19 : memref<128x128xf32, #tpu.memory_space<vmem>>)
    %dma_wait3A_25 = arith.constant 128 : i32
    %dma_wait3A_26 = arith.constant 0 : i32
    %dma_wait3A_27 = tpu.memref_slice %arg8[%dma_wait3A_25, %dma_wait3A_26] : memref<256x128xf32, #tpu.memory_space<vmem>> -> memref<128x128xf32, #tpu.memory_space<vmem>>
    %dma_wait3A_28 = arith.constant 128 : i32
    %dma_wait3A_29 = tpu.memref_slice %arg7[%dma_wait3A_28] : memref<256xi32, #tpu.memory_space<vmem>> -> memref<128xi32, #tpu.memory_space<vmem>>
    %dma_wait3A_30 = arith.constant 0 : i32
    %dma_wait3A_31 = arith.constant 0 : i32
    %dma_wait3A_32 = tpu.memref_slice %arg2[%dma_wait3A_30, %dma_wait3A_31] : memref<8192x128xf32, #tpu.memory_space<hbm>> -> memref<8192x128xf32, #tpu.memory_space<hbm>>
    tpu.wait_indirect_dma semaphore(%arg12 : memref<!tpu.dma_semaphore, #tpu.memory_space<semaphore_mem>>) src(%dma_wait3A_32 : memref<8192x128xf32, #tpu.memory_space<hbm>>) dst(%dma_wait3A_27 : memref<128x128xf32, #tpu.memory_space<vmem>>)
    %broadcast_in_dim3A = arith.constant 0.000000e+00 : f32
    %broadcast_in_dim3A_33 = vector.broadcast %broadcast_in_dim3A : f32 to vector<16xf32>
    %swap3A = arith.constant 0 : index
    %swap3A_34 = tpu.vector_load %arg11[%swap3A] {strides = array<i32>} : memref<16xf32, #tpu.memory_space<vmem>>, vector<16xf32>,
    %swap3A_35 = vector.shape_cast %swap3A_34 : vector<16xf32> to vector<16xf32>
    %swap3A_36 = vector.shape_cast %broadcast_in_dim3A_33 : vector<16xf32> to vector<16xf32>
    tpu.vector_store %arg11[%swap3A], %swap3A_36 {strides = array<i32>} : memref<16xf32, #tpu.memory_space<vmem>>, vector<16xf32>,
    %scan3A = arith.constant 0 : i32
    %scan3A_37 = arith.constant 0 : i32
    %scan3A_38 = arith.constant 256 : i32
    %scan3A_39 = arith.addi %scan3A_37, %scan3A_38 : i32
    %scan3A_40 = arith.constant 1 : i32
    scf.for %scan3A_42 = %scan3A_37 to %scan3A_39 step %scan3A_40  : i32 {
      %get3A = arith.index_cast %scan3A_42 : i32 to index
      %get3A_43 = arith.constant 0 : index
      %get3A_44 = tpu.vector_load %arg8[%get3A, %get3A_43] {strides = array<i32>} : memref<256x128xf32, #tpu.memory_space<vmem>>, vector<1x16xf32>,
      %get3A_45 = vector.shape_cast %get3A_44 : vector<1x16xf32> to vector<16xf32>
      %get3A_46 = arith.index_cast %scan3A_42 : i32 to index
      %get3A_47 = arith.constant 0 : index
      %get3A_48 = tpu.vector_load %arg9[%get3A_46, %get3A_47] {strides = array<i32>} : memref<256x32xf32, #tpu.memory_space<vmem>>, vector<1x16xf32>,
      %get3A_49 = vector.shape_cast %get3A_48 : vector<1x16xf32> to vector<16xf32>
      %sub3A = arith.subf %get3A_45, %get3A_49 : vector<16xf32>
      %add3A_50 = arith.addf %get3A_49, %sub3A : vector<16xf32>
      %sub3A_51 = arith.subf %add3A_50, %get3A_49 : vector<16xf32>
      %get3A_52 = arith.constant 0 : index
      %get3A_53 = tpu.vector_load %arg11[%get3A_52] {strides = array<i32>} : memref<16xf32, #tpu.memory_space<vmem>>, vector<16xf32>,
      %get3A_54 = vector.shape_cast %get3A_53 : vector<16xf32> to vector<16xf32>
      %mul3A_55 = arith.mulf %sub3A_51, %sub3A_51 : vector<16xf32>
      %add3A_56 = arith.addf %get3A_54, %mul3A_55 : vector<16xf32>
      %swap3A_57 = arith.constant 0 : index
      %swap3A_58 = tpu.vector_load %arg11[%swap3A_57] {strides = array<i32>} : memref<16xf32, #tpu.memory_space<vmem>>, vector<16xf32>,
      %swap3A_59 = vector.shape_cast %swap3A_58 : vector<16xf32> to vector<16xf32>
      %swap3A_60 = vector.shape_cast %add3A_56 : vector<16xf32> to vector<16xf32>
      tpu.vector_store %arg11[%swap3A_57], %swap3A_60 {strides = array<i32>} : memref<16xf32, #tpu.memory_space<vmem>>, vector<16xf32>,
      %swap3A_61 = arith.index_cast %scan3A_42 : i32 to index
      %swap3A_62 = arith.constant 0 : index
      %swap3A_63 = tpu.vector_load %arg10[%swap3A_61, %swap3A_62] {strides = array<i32>} : memref<256x32xf32, #tpu.memory_space<vmem>>, vector<1x16xf32>,
      %swap3A_64 = vector.shape_cast %swap3A_63 : vector<1x16xf32> to vector<16xf32>
      %swap3A_65 = vector.shape_cast %add3A_50 : vector<16xf32> to vector<1x16xf32>
      tpu.vector_store %arg10[%swap3A_61, %swap3A_62], %swap3A_65 {strides = array<i32>} : memref<256x32xf32, #tpu.memory_space<vmem>>, vector<1x16xf32>,
      %get3A_66 = arith.index_cast %scan3A_42 : i32 to index
      %get3A_67 = arith.constant 16 : index
      %get3A_68 = tpu.vector_load %arg8[%get3A_66, %get3A_67] {strides = array<i32>} : memref<256x128xf32, #tpu.memory_space<vmem>>, vector<1x16xf32>,
      %get3A_69 = vector.shape_cast %get3A_68 : vector<1x16xf32> to vector<16xf32>
      %get3A_70 = arith.index_cast %scan3A_42 : i32 to index
      %get3A_71 = arith.constant 16 : index
      %get3A_72 = tpu.vector_load %arg9[%get3A_70, %get3A_71] {strides = array<i32>} : memref<256x32xf32, #tpu.memory_space<vmem>>, vector<1x16xf32>,
      %get3A_73 = vector.shape_cast %get3A_72 : vector<1x16xf32> to vector<16xf32>
      %sub3A_74 = arith.subf %get3A_69, %get3A_73 : vector<16xf32>
      %add3A_75 = arith.addf %get3A_73, %sub3A_74 : vector<16xf32>
      %sub3A_76 = arith.subf %add3A_75, %get3A_73 : vector<16xf32>
      %get3A_77 = arith.constant 0 : index
      %get3A_78 = tpu.vector_load %arg11[%get3A_77] {strides = array<i32>} : memref<16xf32, #tpu.memory_space<vmem>>, vector<16xf32>,
      %get3A_79 = vector.shape_cast %get3A_78 : vector<16xf32> to vector<16xf32>
      %mul3A_80 = arith.mulf %sub3A_76, %sub3A_76 : vector<16xf32>
      %add3A_81 = arith.addf %get3A_79, %mul3A_80 : vector<16xf32>
      %swap3A_82 = arith.constant 0 : index
      %swap3A_83 = tpu.vector_load %arg11[%swap3A_82] {strides = array<i32>} : memref<16xf32, #tpu.memory_space<vmem>>, vector<16xf32>,
      %swap3A_84 = vector.shape_cast %swap3A_83 : vector<16xf32> to vector<16xf32>
      %swap3A_85 = vector.shape_cast %add3A_81 : vector<16xf32> to vector<16xf32>
      tpu.vector_store %arg11[%swap3A_82], %swap3A_85 {strides = array<i32>} : memref<16xf32, #tpu.memory_space<vmem>>, vector<16xf32>,
      %swap3A_86 = arith.index_cast %scan3A_42 : i32 to index
      %swap3A_87 = arith.constant 16 : index
      %swap3A_88 = tpu.vector_load %arg10[%swap3A_86, %swap3A_87] {strides = array<i32>} : memref<256x32xf32, #tpu.memory_space<vmem>>, vector<1x16xf32>,
      %swap3A_89 = vector.shape_cast %swap3A_88 : vector<1x16xf32> to vector<16xf32>
      %swap3A_90 = vector.shape_cast %add3A_75 : vector<16xf32> to vector<1x16xf32>
      tpu.vector_store %arg10[%swap3A_86, %swap3A_87], %swap3A_90 {strides = array<i32>} : memref<256x32xf32, #tpu.memory_space<vmem>>, vector<1x16xf32>,
    }
    %scan3A_41 = arith.constant 256 : i32
    "tpu.region"() ({
      %run_scoped3A = tpu.sem_alloc : memref<!tpu.dma_semaphore, #tpu.memory_space<semaphore_mem>>
      %dma_start3A_42 = arith.constant 0 : i32
      %dma_start3A_43 = tpu.memref_slice %arg5[%mul3A_2, %dma_start3A_42] : memref<8192x32xf32, #tpu.memory_space<hbm>> -> memref<256x32xf32, #tpu.memory_space<hbm>>
      %dma_start3A_44 = arith.constant 0 : i32
      %dma_start3A_45 = tpu.memref_slice %arg5[%mul3A_2, %dma_start3A_44] : memref<8192x32xf32, #tpu.memory_space<hbm>> -> memref<256x32xf32, #tpu.memory_space<hbm>>
      tpu.enqueue_dma source(%arg10 : memref<256x32xf32, #tpu.memory_space<vmem>>) target(%dma_start3A_45 : memref<256x32xf32, #tpu.memory_space<hbm>>) target_semaphore(%run_scoped3A : memref<!tpu.dma_semaphore, #tpu.memory_space<semaphore_mem>>)
      %dma_wait3A_46 = arith.constant 0 : i32
      %dma_wait3A_47 = tpu.memref_slice %arg5[%mul3A_2, %dma_wait3A_46] : memref<8192x32xf32, #tpu.memory_space<hbm>> -> memref<256x32xf32, #tpu.memory_space<hbm>>
      %dma_wait3A_48 = arith.constant 0 : i32
      %dma_wait3A_49 = tpu.memref_slice %arg5[%mul3A_2, %dma_wait3A_48] : memref<8192x32xf32, #tpu.memory_space<hbm>> -> memref<256x32xf32, #tpu.memory_space<hbm>>
      tpu.wait_dma2 semaphore(%run_scoped3A : memref<!tpu.dma_semaphore, #tpu.memory_space<semaphore_mem>>) src(%arg10 : memref<256x32xf32, #tpu.memory_space<vmem>>) dst(%dma_wait3A_49 : memref<256x32xf32, #tpu.memory_space<hbm>>)
      tpu.yield
    }) : () -> ()
    "tpu.region"() ({
      %run_scoped3A = tpu.sem_alloc : memref<!tpu.dma_semaphore, #tpu.memory_space<semaphore_mem>>
      %dma_start3A_42 = arith.constant 0 : i32
      %dma_start3A_43 = tpu.memref_slice %arg6[%add3A, %dma_start3A_42] : memref<32x16xf32, #tpu.memory_space<hbm>> -> memref<1x16xf32, #tpu.memory_space<hbm>>
      %dma_start3A_44 = tpu.memref_squeeze %dma_start3A_43 : memref<1x16xf32, #tpu.memory_space<hbm>> -> memref<16xf32, #tpu.memory_space<hbm>>
      %dma_start3A_45 = arith.constant 0 : i32
      %dma_start3A_46 = tpu.memref_slice %arg6[%add3A, %dma_start3A_45] : memref<32x16xf32, #tpu.memory_space<hbm>> -> memref<1x16xf32, #tpu.memory_space<hbm>>
      %dma_start3A_47 = tpu.memref_squeeze %dma_start3A_46 : memref<1x16xf32, #tpu.memory_space<hbm>> -> memref<16xf32, #tpu.memory_space<hbm>>
      tpu.enqueue_dma source(%arg11 : memref<16xf32, #tpu.memory_space<vmem>>) target(%dma_start3A_47 : memref<16xf32, #tpu.memory_space<hbm>>) target_semaphore(%run_scoped3A : memref<!tpu.dma_semaphore, #tpu.memory_space<semaphore_mem>>)
      %dma_wait3A_48 = arith.constant 0 : i32
      %dma_wait3A_49 = tpu.memref_slice %arg6[%add3A, %dma_wait3A_48] : memref<32x16xf32, #tpu.memory_space<hbm>> -> memref<1x16xf32, #tpu.memory_space<hbm>>
      %dma_wait3A_50 = tpu.memref_squeeze %dma_wait3A_49 : memref<1x16xf32, #tpu.memory_space<hbm>> -> memref<16xf32, #tpu.memory_space<hbm>>
      %dma_wait3A_51 = arith.constant 0 : i32
      %dma_wait3A_52 = tpu.memref_slice %arg6[%add3A, %dma_wait3A_51] : memref<32x16xf32, #tpu.memory_space<hbm>> -> memref<1x16xf32, #tpu.memory_space<hbm>>
      %dma_wait3A_53 = tpu.memref_squeeze %dma_wait3A_52 : memref<1x16xf32, #tpu.memory_space<hbm>> -> memref<16xf32, #tpu.memory_space<hbm>>
      tpu.wait_dma2 semaphore(%run_scoped3A : memref<!tpu.dma_semaphore, #tpu.memory_space<semaphore_mem>>) src(%arg11 : memref<16xf32, #tpu.memory_space<vmem>>) dst(%dma_wait3A_53 : memref<16xf32, #tpu.memory_space<hbm>>)
      tpu.yield
    }) : () -> ()
    return
  }
}

module attributes {stable_mosaic.version = 14 : i64} {
  func.func @_argmin_body(%arg0: i32, %arg1: memref<512x32xf32, #tpu.memory_space<vmem>>, %arg2: memref<512x1xf32, #tpu.memory_space<vmem>>, %arg3: memref<32x8192xf32, #tpu.memory_space<vmem>>, %arg4: memref<1x4x128xi32, #tpu.memory_space<vmem>>) attributes {dimension_semantics = [#tpu.dimension_semantics<arbitrary>], iteration_bounds = array<i64: 16>, scalar_prefetch = 0 : i64, scratch_operands = 0 : i64, tpu.core_type = #tpu.core_type<tc>, window_params = [{transform_indices = @transform_0, window_bounds = array<i64: 512, 32>}, {transform_indices = @transform_1, window_bounds = array<i64: 512, 1>}, {pipeline_mode = #tpu.pipeline_mode<synchronous>, transform_indices = @transform_2, window_bounds = array<i64: 32, 8192>}, {transform_indices = @transform_3, window_bounds = array<i64: 1, 4, 128>}]} {
    %get3A = arith.constant 0 : index
    %get3A_0 = arith.constant 0 : index
    %get3A_1 = vector.load %arg2[%get3A, %get3A_0] : memref<512x1xf32, #tpu.memory_space<vmem>>, vector<512x1xf32>
    %get3A_2 = arith.constant 0 : index
    %get3A_3 = arith.constant 0 : index
    %get3A_4 = vector.load %arg1[%get3A_2, %get3A_3] : memref<512x32xf32, #tpu.memory_space<vmem>>, vector<512x32xf32>
    %convert_element_type3A = arith.truncf %get3A_4 : vector<512x32xf32> to vector<512x32xbf16>
    %mul3A = arith.constant 2.000000e+00 : bf16
    %mul3A_5 = vector.broadcast %mul3A : bf16 to vector<512x32xbf16>
    %mul3A_6 = arith.mulf %convert_element_type3A, %mul3A_5 : vector<512x32xbf16>
    %broadcast_in_dim3A = arith.constant 0x7F800000 : f32
    %broadcast_in_dim3A_7 = vector.broadcast %broadcast_in_dim3A : f32 to vector<512xf32>
    %broadcast_in_dim3A_8 = arith.constant 0 : i32
    %broadcast_in_dim3A_9 = vector.broadcast %broadcast_in_dim3A_8 : i32 to vector<512xi32>
    %get3A_10 = arith.constant 0 : index
    %get3A_11 = arith.constant 0 : index
    %get3A_12 = vector.load %arg3[%get3A_10, %get3A_11] : memref<32x8192xf32, #tpu.memory_space<vmem>>, vector<32x2048xf32>
    %mul3A_13 = arith.mulf %get3A_12, %get3A_12 : vector<32x2048xf32>
    %reduce_sum3A = arith.constant dense<0.000000e+00> : vector<2048xf32>
    %reduce_sum3A_14 = vector.multi_reduction <add>, %mul3A_13, %reduce_sum3A [0] : vector<32x2048xf32> to vector<2048xf32>
    %convert_element_type3A_15 = arith.truncf %get3A_12 : vector<32x2048xf32> to vector<32x2048xbf16>
    %dot_general3A = arith.constant dense<0.000000e+00> : vector<512x2048xf32>
    %dot_general3A_16 = tpu.matmul %mul3A_6, %convert_element_type3A_15, %dot_general3A {dimension_numbers = #tpu.dot_dimension_numbers<[1], [0], [0], [1], [0, 0, 1, 1], [], []>, transpose_lhs_hint = false} : vector<512x32xbf16>, vector<32x2048xbf16>, vector<512x2048xf32> -> vector<512x2048xf32>
    %broadcast_in_dim3A_17 = vector.shape_cast %reduce_sum3A_14 : vector<2048xf32> to vector<1x2048xf32>
    %add3A = vector.broadcast %get3A_1 : vector<512x1xf32> to vector<512x2048xf32>
    %add3A_18 = vector.broadcast %broadcast_in_dim3A_17 : vector<1x2048xf32> to vector<512x2048xf32>
    %add3A_19 = arith.addf %add3A, %add3A_18 : vector<512x2048xf32>
    %sub3A = arith.subf %add3A_19, %dot_general3A_16 : vector<512x2048xf32>
    %reduce_min3A = arith.constant dense<0x7F800000> : vector<512xf32>
    %reduce_min3A_20 = vector.multi_reduction <minimumf>, %sub3A, %reduce_min3A [1] : vector<512x2048xf32> to vector<512xf32>
    %argmin3A = tpu.reduce_index %sub3A {axis = 1 : i32, kind = #tpu.reduction_kind<arg_min>} : vector<512x2048xf32> -> vector<512xi32>
    %lt3A = arith.cmpf olt, %reduce_min3A_20, %broadcast_in_dim3A_7 : vector<512xf32>
    %add3A_21 = arith.constant 0 : i32
    %add3A_22 = vector.broadcast %add3A_21 : i32 to vector<512xi32>
    %add3A_23 = arith.addi %argmin3A, %add3A_22 : vector<512xi32>
    %select_n3A = arith.select %lt3A, %add3A_23, %broadcast_in_dim3A_9 : vector<512xi1>, vector<512xi32>
    %convert_element_type3A_24 = arith.truncf %reduce_min3A_20 : vector<512xf32> to vector<512xbf16>
    %convert_element_type3A_25 = arith.extf %convert_element_type3A_24 : vector<512xbf16> to vector<512xf32>
    %select_n3A_26 = arith.select %lt3A, %convert_element_type3A_25, %broadcast_in_dim3A_7 : vector<512xi1>, vector<512xf32>
    %get3A_27 = arith.constant 0 : index
    %get3A_28 = arith.constant 2048 : index
    %get3A_29 = vector.load %arg3[%get3A_27, %get3A_28] : memref<32x8192xf32, #tpu.memory_space<vmem>>, vector<32x2048xf32>
    %mul3A_30 = arith.mulf %get3A_29, %get3A_29 : vector<32x2048xf32>
    %reduce_sum3A_31 = arith.constant dense<0.000000e+00> : vector<2048xf32>
    %reduce_sum3A_32 = vector.multi_reduction <add>, %mul3A_30, %reduce_sum3A_31 [0] : vector<32x2048xf32> to vector<2048xf32>
    %convert_element_type3A_33 = arith.truncf %get3A_29 : vector<32x2048xf32> to vector<32x2048xbf16>
    %dot_general3A_34 = arith.constant dense<0.000000e+00> : vector<512x2048xf32>
    %dot_general3A_35 = tpu.matmul %mul3A_6, %convert_element_type3A_33, %dot_general3A_34 {dimension_numbers = #tpu.dot_dimension_numbers<[1], [0], [0], [1], [0, 0, 1, 1], [], []>, transpose_lhs_hint = false} : vector<512x32xbf16>, vector<32x2048xbf16>, vector<512x2048xf32> -> vector<512x2048xf32>
    %broadcast_in_dim3A_36 = vector.shape_cast %reduce_sum3A_32 : vector<2048xf32> to vector<1x2048xf32>
    %add3A_37 = vector.broadcast %get3A_1 : vector<512x1xf32> to vector<512x2048xf32>
    %add3A_38 = vector.broadcast %broadcast_in_dim3A_36 : vector<1x2048xf32> to vector<512x2048xf32>
    %add3A_39 = arith.addf %add3A_37, %add3A_38 : vector<512x2048xf32>
    %sub3A_40 = arith.subf %add3A_39, %dot_general3A_35 : vector<512x2048xf32>
    %reduce_min3A_41 = arith.constant dense<0x7F800000> : vector<512xf32>
    %reduce_min3A_42 = vector.multi_reduction <minimumf>, %sub3A_40, %reduce_min3A_41 [1] : vector<512x2048xf32> to vector<512xf32>
    %argmin3A_43 = tpu.reduce_index %sub3A_40 {axis = 1 : i32, kind = #tpu.reduction_kind<arg_min>} : vector<512x2048xf32> -> vector<512xi32>
    %lt3A_44 = arith.cmpf olt, %reduce_min3A_42, %select_n3A_26 : vector<512xf32>
    %add3A_45 = arith.constant 2048 : i32
    %add3A_46 = vector.broadcast %add3A_45 : i32 to vector<512xi32>
    %add3A_47 = arith.addi %argmin3A_43, %add3A_46 : vector<512xi32>
    %select_n3A_48 = arith.select %lt3A_44, %add3A_47, %select_n3A : vector<512xi1>, vector<512xi32>
    %convert_element_type3A_49 = arith.truncf %reduce_min3A_42 : vector<512xf32> to vector<512xbf16>
    %convert_element_type3A_50 = arith.extf %convert_element_type3A_49 : vector<512xbf16> to vector<512xf32>
    %select_n3A_51 = arith.select %lt3A_44, %convert_element_type3A_50, %select_n3A_26 : vector<512xi1>, vector<512xf32>
    %get3A_52 = arith.constant 0 : index
    %get3A_53 = arith.constant 4096 : index
    %get3A_54 = vector.load %arg3[%get3A_52, %get3A_53] : memref<32x8192xf32, #tpu.memory_space<vmem>>, vector<32x2048xf32>
    %mul3A_55 = arith.mulf %get3A_54, %get3A_54 : vector<32x2048xf32>
    %reduce_sum3A_56 = arith.constant dense<0.000000e+00> : vector<2048xf32>
    %reduce_sum3A_57 = vector.multi_reduction <add>, %mul3A_55, %reduce_sum3A_56 [0] : vector<32x2048xf32> to vector<2048xf32>
    %convert_element_type3A_58 = arith.truncf %get3A_54 : vector<32x2048xf32> to vector<32x2048xbf16>
    %dot_general3A_59 = arith.constant dense<0.000000e+00> : vector<512x2048xf32>
    %dot_general3A_60 = tpu.matmul %mul3A_6, %convert_element_type3A_58, %dot_general3A_59 {dimension_numbers = #tpu.dot_dimension_numbers<[1], [0], [0], [1], [0, 0, 1, 1], [], []>, transpose_lhs_hint = false} : vector<512x32xbf16>, vector<32x2048xbf16>, vector<512x2048xf32> -> vector<512x2048xf32>
    %broadcast_in_dim3A_61 = vector.shape_cast %reduce_sum3A_57 : vector<2048xf32> to vector<1x2048xf32>
    %add3A_62 = vector.broadcast %get3A_1 : vector<512x1xf32> to vector<512x2048xf32>
    %add3A_63 = vector.broadcast %broadcast_in_dim3A_61 : vector<1x2048xf32> to vector<512x2048xf32>
    %add3A_64 = arith.addf %add3A_62, %add3A_63 : vector<512x2048xf32>
    %sub3A_65 = arith.subf %add3A_64, %dot_general3A_60 : vector<512x2048xf32>
    %reduce_min3A_66 = arith.constant dense<0x7F800000> : vector<512xf32>
    %reduce_min3A_67 = vector.multi_reduction <minimumf>, %sub3A_65, %reduce_min3A_66 [1] : vector<512x2048xf32> to vector<512xf32>
    %argmin3A_68 = tpu.reduce_index %sub3A_65 {axis = 1 : i32, kind = #tpu.reduction_kind<arg_min>} : vector<512x2048xf32> -> vector<512xi32>
    %lt3A_69 = arith.cmpf olt, %reduce_min3A_67, %select_n3A_51 : vector<512xf32>
    %add3A_70 = arith.constant 4096 : i32
    %add3A_71 = vector.broadcast %add3A_70 : i32 to vector<512xi32>
    %add3A_72 = arith.addi %argmin3A_68, %add3A_71 : vector<512xi32>
    %select_n3A_73 = arith.select %lt3A_69, %add3A_72, %select_n3A_48 : vector<512xi1>, vector<512xi32>
    %convert_element_type3A_74 = arith.truncf %reduce_min3A_67 : vector<512xf32> to vector<512xbf16>
    %convert_element_type3A_75 = arith.extf %convert_element_type3A_74 : vector<512xbf16> to vector<512xf32>
    %select_n3A_76 = arith.select %lt3A_69, %convert_element_type3A_75, %select_n3A_51 : vector<512xi1>, vector<512xf32>
    %get3A_77 = arith.constant 0 : index
    %get3A_78 = arith.constant 6144 : index
    %get3A_79 = vector.load %arg3[%get3A_77, %get3A_78] : memref<32x8192xf32, #tpu.memory_space<vmem>>, vector<32x2048xf32>
    %mul3A_80 = arith.mulf %get3A_79, %get3A_79 : vector<32x2048xf32>
    %reduce_sum3A_81 = arith.constant dense<0.000000e+00> : vector<2048xf32>
    %reduce_sum3A_82 = vector.multi_reduction <add>, %mul3A_80, %reduce_sum3A_81 [0] : vector<32x2048xf32> to vector<2048xf32>
    %convert_element_type3A_83 = arith.truncf %get3A_79 : vector<32x2048xf32> to vector<32x2048xbf16>
    %dot_general3A_84 = arith.constant dense<0.000000e+00> : vector<512x2048xf32>
    %dot_general3A_85 = tpu.matmul %mul3A_6, %convert_element_type3A_83, %dot_general3A_84 {dimension_numbers = #tpu.dot_dimension_numbers<[1], [0], [0], [1], [0, 0, 1, 1], [], []>, transpose_lhs_hint = false} : vector<512x32xbf16>, vector<32x2048xbf16>, vector<512x2048xf32> -> vector<512x2048xf32>
    %broadcast_in_dim3A_86 = vector.shape_cast %reduce_sum3A_82 : vector<2048xf32> to vector<1x2048xf32>
    %add3A_87 = vector.broadcast %get3A_1 : vector<512x1xf32> to vector<512x2048xf32>
    %add3A_88 = vector.broadcast %broadcast_in_dim3A_86 : vector<1x2048xf32> to vector<512x2048xf32>
    %add3A_89 = arith.addf %add3A_87, %add3A_88 : vector<512x2048xf32>
    %sub3A_90 = arith.subf %add3A_89, %dot_general3A_85 : vector<512x2048xf32>
    %reduce_min3A_91 = arith.constant dense<0x7F800000> : vector<512xf32>
    %reduce_min3A_92 = vector.multi_reduction <minimumf>, %sub3A_90, %reduce_min3A_91 [1] : vector<512x2048xf32> to vector<512xf32>
    %argmin3A_93 = tpu.reduce_index %sub3A_90 {axis = 1 : i32, kind = #tpu.reduction_kind<arg_min>} : vector<512x2048xf32> -> vector<512xi32>
    %lt3A_94 = arith.cmpf olt, %reduce_min3A_92, %select_n3A_76 : vector<512xf32>
    %add3A_95 = arith.constant 6144 : i32
    %add3A_96 = vector.broadcast %add3A_95 : i32 to vector<512xi32>
    %add3A_97 = arith.addi %argmin3A_93, %add3A_96 : vector<512xi32>
    %select_n3A_98 = arith.select %lt3A_94, %add3A_97, %select_n3A_73 : vector<512xi1>, vector<512xi32>
    %reshape3A = vector.shape_cast %select_n3A_98 : vector<512xi32> to vector<1x4x128xi32>
    %swap3A = arith.constant 0 : index
    %swap3A_99 = arith.constant 0 : index
    %swap3A_100 = arith.constant 0 : index
    %swap3A_101 = vector.load %arg4[%swap3A, %swap3A_99, %swap3A_100] : memref<1x4x128xi32, #tpu.memory_space<vmem>>, vector<1x4x128xi32>
    tpu.vector_store %arg4[%swap3A, %swap3A_99, %swap3A_100], %reshape3A {strides = array<i32>} : memref<1x4x128xi32, #tpu.memory_space<vmem>>, vector<1x4x128xi32>,
    return
  }
  func.func @transform_0(%arg0: i32) -> (i32, i32) {
    %c0_i32 = arith.constant 0 : i32
    %c0_i32_0 = arith.constant 0 : i32
    return %arg0, %c0_i32 : i32, i32
  }
  func.func @transform_1(%arg0: i32) -> (i32, i32) {
    %c0_i32 = arith.constant 0 : i32
    %c0_i32_0 = arith.constant 0 : i32
    return %arg0, %c0_i32 : i32, i32
  }
  func.func @transform_2(%arg0: i32) -> (i32, i32) {
    %c0_i32 = arith.constant 0 : i32
    %c0_i32_0 = arith.constant 0 : i32
    %c0_i32_1 = arith.constant 0 : i32
    return %c0_i32, %c0_i32_0 : i32, i32
  }
  func.func @transform_3(%arg0: i32) -> (i32, i32, i32) {
    %c0_i32 = arith.constant 0 : i32
    %c0_i32_0 = arith.constant 0 : i32
    %c0_i32_1 = arith.constant 0 : i32
    return %arg0, %c0_i32, %c0_i32_0 : i32, i32, i32
  }
}

</mosaic_0001>

<sc_bundles>
// kernel: kernel.4.cloned.1.call-start
scs
__scs_entry_jumppad:
0x0: {  	(pc) =	sbr.rel $0x88, $3  }
0x1: {  	(tag) =	ssettag $0x0;
	lr =	simm.s32 $0x1  }
0x2: {  	[smem:$0x3F9F] =	sst lr;
	_ =	strace $0xD0000000  }
0x3: {  	_ = 	snop  }
0x4: {  	_ = 	snop  }
0x5: {  	_ = 	snop  }
0x6: {  	_ = 	snop  }
0x7: {  	_ = 	snop  }
__scs_overlays_trampoline_lowered:
0x8: {  	[smem:$0x3FAE] =	sst s0  }
0x9: {  	[smem:$0x3FAF] =	sst s1  }
0xa: {  	[smem:$0x3FB0] =	sst s2  }
0xb: {  	[smem:$0x3FB1] =	sst s3  }
0xc: {  	[smem:$0x3FB2] =	sst s4  }
0xd: {  	[smem:$0x3FB3] =	sst s5  }
0xe: {  	[smem:$0x3FB4] =	sst s6  }
0xf: {  	[smem:$0x3FB5] =	sst s7  }
0x10: {  	[smem:$0x3FB6] =	sst s8  }
0x11: {  	[smem:$0x3FB7] =	sst s9;
	s0 =	simm.s32 @!p0 $0x0  }
0x12: {  	s1 =	sld [smem:$0x3F9D];
	s0 =	simm.s32 @p0 $0x1  }
0x13: {  	[smem:$0x3FB8] =	sst s0;
	s0 =	simm.s32 @!p1 $0x0  }
0x14: {  	s2 =	sld [smem:$0x3F9C];
	s0 =	simm.s32 @p1 $0x1  }
0x15: {  	[smem:$0x3FB9] =	sst s0;
	s0 =	simm.s32 @!p2 $0x0  }
0x16: {  	s3 =	sld [smem:$0x3FDB];
	s0 =	simm.s32 @p2 $0x1  }
0x17: {  	s4 =	simm.s32 $0x1BF5;
	[smem:$0x3FBB] =	sst s0  }
0x18: {  	s0 =	sld [smem:$0x3F9E];
	_ =	swait.ge [sflag:s4], $0x0  }
0x19: {  	s7 =	sld [smem:$0x3F9F]  }
0x1a: {  	s8 =	sadd.s32 $0xFFFFE003, lr  }
0x1b: {  	s9 =	sadd.s32 $0xFFFFFEF7, lr;
	s5 =	simm.s32 $0xFFFFFFFF;
	p2 =	slt.u32 s8, $0xFFFFF086  }
0x1c: {  	p1 =	slt.u32 s9, $0xF7A;
	s5 =	simm.s32 @!p2 $0x0  }
0x1d: {  	s5 =	simm.s32 @p1 $0x1;
	p0 =	seq.s32 s7, s2  }
0x1e: {  	s7 =	smul.u32 @!p0 $0xF7A, s2;
	p2 =	seq.s32 @!p0 s5, $0x0  }
0x1f: {  	s9 =	smul.u32 $0xF7A, s1;
	s8 =	simm.s32 @!p0 $0x1BF5;
	p2 =	por !p2, p0  }
0x20: {  	[sflag:s8] =	ssyncset.s32 @!p0 $0xFFFFF086;
	s6 =	sadd.s32 @!p0 s3, s7;
	s7 =	simm.s32 @!p0 $0x108  }
0x21: {  	s3 =	sadd.s32 s3, s9;
	s6 =	sadd.s32 @!p0 $0x88, s6;
	s7 =	simm.s32 @p2 $0x1082  }
0x22: {  	[simem:s7], [sflag:s8] =	dma.local @!p0 [hbm:s6], $0xF7A  }
0x23: {  	s9 =	sor.u32 $0xD0000000, s2;
	s6 =	simm.s32 $0x108;
	_ =	swait.ge @!p0 [sflag:s8], $0x0  }
0x24: {  	s3 =	sadd.s32 $0x88, s3;
	s6 =	simm.s32 @!p1 $0x1082;
	[sflag:s4] =	ssyncset.s32 $0xFFFFF086  }
0x25: {  	[simem:s6], [sflag:s4] =	dma.local [hbm:s3], $0xF7A  }
0x26: {  	[smem:$0x3F9F] =	sst s1;
	(tag) =	ssettag s2;
	_ =	strace s9  }
0x27: {  	s1 =	sld [smem:$0x3FAF]  }
0x28: {  	s2 =	sld [smem:$0x3FB0]  }
0x29: {  	s4 =	sld [smem:$0x3FB2]  }
0x2a: {  	p0 =	seq.s32 s5, $0x0;
	s5 =	sld [smem:$0x3FB3]  }
0x2b: {  	s6 =	sld [smem:$0x3FB4]  }
0x2c: {  	s7 =	sld [smem:$0x3FB5]  }
0x2d: {  	s3 =	simm.s32 $0x108;
	s8 =	sld [smem:$0x3FB6]  }
0x2e: {  	s3 =	simm.s32 @!p0 $0x1082;
	s9 =	sld [smem:$0x3FB7]  }
0x2f: {  	lr =	sadd.s32 s0, s3;
	s0 =	sld [smem:$0x3FAE]  }
0x30: {  	s3 =	sld [smem:$0x3FB1]  }
0x31: {  	[smem:$0x3FBA] =	sst s10  }
0x32: {  	s10 =	sld [smem:$0x3FB8];
	_ =	sdelay $0x3  }
0x33: {  	p0 =	seq.s32 s10, $0x1;
	s10 =	sld [smem:$0x3FBA];
	_ =	sdelay $0x3  }
0x34: {  	[smem:$0x3FBA] =	sst s10  }
0x35: {  	s10 =	sld [smem:$0x3FB9];
	_ =	sdelay $0x3  }
0x36: {  	p1 =	seq.s32 s10, $0x1;
	s10 =	sld [smem:$0x3FBA];
	_ =	sdelay $0x3  }
0x37: {  	[smem:$0x3FBA] =	sst s10  }
0x38: {  	s10 =	sld [smem:$0x3FBB]  }
0x39: {  	_ = 	snop;
	(pc) =	sbr.ind lr, $3  }
0x3a: {  	_ = 	snop  }
0x3b: {  	_ = 	snop  }
0x3c: {  	p2 =	seq.s32 s10, $0x1;
	s10 =	sld [smem:$0x3FBA]  }
0x3d: {  	_ =	shalt  }
0x3e: {  	_ =	shalt  }
0x3f: {  	_ =	shalt  }
0x40: {  	_ =	shalt  }
0x41: {  	_ =	shalt  }
0x42: {  	_ =	shalt  }
0x43: {  	_ =	shalt  }
0x44: {  	_ =	shalt  }
0x45: {  	_ =	shalt  }
0x46: {  	_ =	shalt  }
0x47: {  	_ =	shalt  }
0x48: {  	_ =	shalt  }
0x49: {  	_ =	shalt  }
0x4a: {  	_ =	shalt  }
0x4b: {  	_ =	shalt  }
0x4c: {  	_ =	shalt  }
0x4d: {  	_ =	shalt  }
0x4e: {  	_ =	shalt  }
0x4f: {  	_ =	shalt  }
0x50: {  	_ =	shalt  }
0x51: {  	_ =	shalt  }
0x52: {  	_ =	shalt  }
0x53: {  	_ =	shalt  }
0x54: {  	_ =	shalt  }
0x55: {  	_ =	shalt  }
0x56: {  	_ =	shalt  }
0x57: {  	_ =	shalt  }
0x58: {  	_ =	shalt  }
0x59: {  	_ =	shalt  }
0x5a: {  	_ =	shalt  }
0x5b: {  	_ =	shalt  }
0x5c: {  	_ =	shalt  }
0x5d: {  	_ =	shalt  }
0x5e: {  	_ =	shalt  }
0x5f: {  	_ =	shalt  }
0x60: {  	_ =	shalt  }
0x61: {  	_ =	shalt  }
0x62: {  	_ =	shalt  }
0x63: {  	_ =	shalt  }
0x64: {  	_ =	shalt  }
0x65: {  	_ =	shalt  }
0x66: {  	_ =	shalt  }
0x67: {  	_ =	shalt  }
0x68: {  	_ =	shalt  }
0x69: {  	_ =	shalt  }
0x6a: {  	_ =	shalt  }
0x6b: {  	_ =	shalt  }
0x6c: {  	_ =	shalt  }
0x6d: {  	_ =	shalt  }
0x6e: {  	_ =	shalt  }
0x6f: {  	_ =	shalt  }
0x70: {  	_ =	shalt  }
0x71: {  	_ =	shalt  }
0x72: {  	_ =	shalt  }
0x73: {  	_ =	shalt  }
0x74: {  	_ =	shalt  }
0x75: {  	_ =	shalt  }
0x76: {  	_ =	shalt  }
0x77: {  	_ =	shalt  }
0x78: {  	_ =	shalt  }
0x79: {  	_ =	shalt  }
0x7a: {  	_ =	shalt  }
0x7b: {  	_ =	shalt  }
0x7c: {  	_ =	shalt  }
0x7d: {  	_ =	shalt  }
0x7e: {  	_ =	shalt  }
0x7f: {  	_ =	shalt  }
0x80: {  	_ =	shalt  }
0x81: {  	_ =	shalt  }
0x82: {  	_ =	shalt  }
0x83: {  	_ =	shalt  }
0x84: {  	_ =	shalt  }
0x85: {  	_ =	shalt  }
0x86: {  	_ =	shalt  }
0x87: {  	_ =	shalt  }
.Lfunc_end0:
.L_simem_size_0:
called_computation_lowered:
.L_overlay_start_0:
0x88: {  	s2 =	sld [smem:$0x3FD9]  }
0x89: {  	s3 =	sld [smem:$0x3FFE];
	_ =	sdelay $0x1  }
0x8a: {  	s1 =	srdreg.scid  }
0x8b: {  	s0 =	sand.u32 $0x1, s1  }
0x8c: {  	s14 =	sshll.u32 s0, $0xA;
	s2 =	sadd.s32 s3, s2  }
0x8d: {  	s2 =	sadd.s32 s2, s14  }
0x8e: {  	[smem:$0x3FC6] =	sst s2  }
0x8f: {  	_ = 	snop  }
0x90: {  	s2 =	sld [smem:$0x3FD0];
	_ =	sdelay $0x2  }
0x91: {  	s15 =	simm.s32 $0xA;
	s4 =	simm.s32 $0x10  }
0x92: {  	[smem:s4], [sflag:s15] =	dma.local [hbm:s2], $0x1  }
0x93: {  	_ =	swait.eq [sflag:s15], $0x1  }
0x94: {  	[sflag:s15] =	ssyncset.done $0x0  }
0x95: {  	[sflag:s15] =	ssyncadd.s32 $0xFFFFFFFF  }
0x96: {  	s16 =	sld [smem:$0x10];
	(tm) =	ssettm $0x1  }
0x97: {  	s17 =	sld [smem:$0x3FFB];
	_ =	sdelay $0x3  }
0x98: {  	_ =	strace s17  }
0x99: {  	s3 =	sld [smem:$0x3FFC];
	_ =	sdelay $0x3  }
0x9a: {  	_ =	strace s3  }
0x9b: {  	s3 =	sld [smem:$0x3FFD];
	_ =	sdelay $0x3  }
0x9c: {  	_ =	strace s3  }
0x9d: {  	_ =	strace $0x8FFFFFFF  }
0x9e: {  	s18 =	sld [smem:$0x3FDB];
	_ =	sdelay $0x1  }
0x9f: {  	s19 =	simm.s32 $_scs_section_size  }
0xa0: {  	s5 =	simm.s32 $_size__tile_overlayer_lowered;
	s6 =	simm.s32 $_tile_overlayer_lowered  }
0xa1: {  	s22 =	simm.s32 $0x1BFF;
	s21 =	sshll.u32 s6, $0x1;
	s3 =	sadd.s32 s19, s18  }
0xa2: {  	s7 =	simm.s32 $0x0;
	s20 =	sshll.u32 s5, $0x1;
	s5 =	sadd.s32 s21, s3  }
0xa3: {  	[timem:s7], [sflag:s22] =	dma.local [hbm:s5], s20  }
0xa4: {  	_ =	swait.ge [sflag:s22], s20  }
0xa5: {  	s4 =	ssub.s32 $0x0, s20;
	[sflag:s22] =	ssyncset.done $0x0  }
0xa6: {  	[sflag:s22] =	ssyncadd.s32 s4;
	_ =	sdelay $0x1  }
0xa7: {  	s23 =	simm.s32 $0x1B8B  }
0xa8: {  	_ =	swait.ge [sflag:s23], $0x1  }
0xa9: {  	[sflag:s23] =	ssyncset.done $0x0  }
0xaa: {  	s25 =	simm.s32 $0x1B8E;
	s24 =	sld [smem:$0x3FFE];
	[sflag:s23] =	ssyncadd.s32 $0xFFFFFFFF  }
0xab: {  	s26 =	simm.s32 $execute0_lowered;
	[smem:$0x3FD2] =	sst s25  }
0xac: {  	s5 =	sshll.u32 s26, $0x1;
	_ =	strace $0x80000046;
	[dreg:$0x1] =	wrdreg $0xFFFFFFFF  }
0xad: {  	s28 =	simm.s32 $_size_execute0_lowered;
	s3 =	sadd.s32 s3, s5;
	[dreg:$0x0] =	wrdreg $0x0  }
0xae: {  	s5 =	sshll.u32 s28, $0x1;
	[dreg:$0x2] =	wrdreg s3  }
0xaf: {  	[dreg:$0x3] =	wrdreg s5  }
0xb0: {  	[dreg:$0x4] =	wrdreg $0xC0  }
0xb1: {  	_ =	task [dreg:s7], $0x5FFFF  }
0xb2: {  	[dreg:$0x1] =	wrdreg $0xFFFFFFFF  }
0xb3: {  	[dreg:$0x0] =	wrdreg $0x60  }
0xb4: {  	[dreg:$0x2] =	wrdreg s24  }
0xb5: {  	[dreg:$0x3] =	wrdreg s16  }
0xb6: {  	[dreg:$0x4] =	wrdreg $0x9  }
0xb7: {  	_ =	task.clear_ibuf [dreg:s7], $0x5FFFF;
	_ =	strace $0x90000046  }
0xb8: {  	s29 =	simm.s32 $0x9;
	_ =	strace $0x80000048  }
0xb9: {  	_ =	swait.ge [sflag:s29], $0x1  }
0xba: {  	[sflag:s29] =	ssyncadd.s32 $0xFFFFFFFF  }
0xbb: {  	_ =	strace $0x90000048  }
0xbc: {  	_ =	sfence  }
0xbd: {  	s30 =	sld [smem:$0x0];
	_ =	sdelay $0x2  }
0xbe: {  	s31 =	sshll.u32 s1, $0xD;
	s1 =	sshrl.u32 s1, $0x2  }
0xbf: {  	s3 =	sand.u32 $0x4000, s31;
	s1 =	sadd.s32 s1, s30  }
0xc0: {  	s0 =	sor.u32 s3, s0;
	s1 =	sshll.u32 s1, $0x11  }
0xc1: {  	s0 =	sor.u32 s1, s0  }
0xc2: {  	s0 =	sadd.s32 $0x8F2B, s0  }
0xc3: {  	[sflag:s0] =	ssyncadd.remote.s32 $0x1  }
0xc4: {  	_ =	sfence.sel $0xFFFF  }
0xc5: {  	[dreg:$0x0] =	wrdreg $0xFFFFFFFF;
	(pc) =	sbr.abs _section_cstart, $3  }
0xc6: {  	[dreg:$0x1] =	wrdreg $0xFFFFFFFF  }
0xc7: {  	_ =	task.clear_ibuf [dreg:s7], $0x2FFFF;
	_ =	strace $0x9FFFFFFF  }
0xc8: {  	(tm) =	ssettm $0x7FFFFFFF  }
0xc9: {  	_ =	shalt  }
tec
execute0_lowered:
.L_overlay_start_1:
0x0: {  	(tag) =	ssettag $0x1  }
0x1: {  	s4 =	rddreg [dreg:$0x0]  }
0x2: {  	s5 =	rddreg [dreg:$0x1]  }
0x3: {  	s0 =	rddreg [dreg:$0x2];
	s3 =	srdreg.scid  }
0x4: {  	s1 =	stileid.u32;
	s2 =	simm.s32 $0x0;
	s11 =	simm.s32 $0x80  }
0x5: {  	s12 =	simm.s32 $0x100;
	s13 =	simm.s32 $0x4100;
	s14 =	simm.s32 $0x1  }
0x6: {  	s15 =	simm.s32 $0x10100;
	s16 =	simm.s32 $0x18100;
	s17 =	simm.s32 $0x0  }
0x7: {  	s6 =	sand.u32 $0x1, s3;
	s30 =	sshll.u32 s1, $0x1;
	[smem:$0x7FF] =	sst s2  }
0x8: {  	s3 =	sadd.s32 $0x20400, s4;
	s7 =	sor.u32 s6, s30;
	_ =	strace $0x80000047  }
0x9: {  	s6 =	ssub.s32 $0x2, s6;
	s8 =	sshll.u32 s7, $0xC;
	s9 =	sshll.u32 s7, $0x4  }
0xa: {  	s31 =	sshrl.u32 s6, $0x1;
	s7 =	sshll.u32 s7, $0x5;
	s8 =	sadd.s32 s8, s4  }
0xb: {  	s9 =	sadd.s32 s9, s4;
	s10 =	ssub.s32 s6, s31;
	s4 =	sadd.s32 s5, s7  }
0xc: {  	s5 =	sadd.s32 $0x400, s8;
	s6 =	sadd.s32 $0x40600, s8;
	s7 =	sadd.s32 $0x40400, s9  }
0xd: {  	v0 =	vimm.f32 $0.0e+00;
	s8 =	smax.u32 s10, $0x1;
	s9 =	simm.s32 $0x2;
	s10 =	simm.s32 $0x8100  }
.LBB2_1:
0xe: {  	[tilespmem:s2], [sflag:$0x2] =	stream.linear.gather [hbm4b:s4+s2], $0x100, $0x38;
	[tilespmem:$0x18180] =	vst v63  }
0xf: {  	_ =	swait.ge [sflag:s9], $0x100  }
0x10: {  	[sflag:s9] =	ssyncset.done $0x0  }
0x11: {  	[sflag:s9] =	ssyncadd.s32 $0xFFFFFF00  }
0x12: {  	[tilespmem:s10], [sflag:$0x2] =	stream.linear.gather [hbm4b:s5+s2], $0x8000, $0x38;
	[tilespmem:$0x18180] =	vst v63  }
0x13: {  	_ =	swait.ge [sflag:s9], $0x8000  }
0x14: {  	[sflag:s9] =	ssyncset.done $0x0  }
0x15: {  	[sflag:s9] =	ssyncadd.s32 $0xFFFF8000  }
0x16: {  	[tilespmem:s12], [sflag:$0x1] =	stream.indirect.gather [hbm4b:s3+s11], $0x80, s2, s11, $0xb8;
	[tilespmem:$0x18180] =	vst v63  }
0x17: {  	_ = 	snop  }
0x18: {  	[tilespmem:s13], [sflag:$0x1] =	stream.indirect.gather [hbm4b:s3+s11], $0x80, s11, s11, $0xb8;
	[tilespmem:$0x18180] =	vst v63  }
0x19: {  	_ =	swait.ge [sflag:s14], $0x4000  }
0x1a: {  	[sflag:s14] =	ssyncset.done $0x0  }
0x1b: {  	[sflag:s14] =	ssyncadd.s32 $0xFFFFC000  }
0x1c: {  	_ =	swait.ge [sflag:s14], $0x4000  }
0x1d: {  	[sflag:s14] =	ssyncset.done $0x0  }
0x1e: {  	[sflag:s14] =	ssyncadd.s32 $0xFFFFC000  }
0x1f: {  	s18 =	simm.s32 $0x0;
	[tilespmem:$0x18100] =	vst v0  }
0x20: {  	v1 =	vld [tilespmem:s18+$0x100]  }
0x21: {  	v2 =	vld [tilespmem:s18+$0x8100];
	_ =	sdelay $0x4  }
0x22: {  	v1 =	vsub.f32 v1, v2;
	_ =	sdelay $0x1  }
0x23: {  	v1 =	vadd.f32 v1, v2  }
0x24: {  	v3 =	vld [tilespmem:$0x18100]  }
0x25: {  	v2 =	vsub.f32 v1, v2;
	_ =	sdelay $0x1  }
0x26: {  	v2 =	vmul.f32 v2, v2;
	_ =	sdelay $0x1  }
0x27: {  	v2 =	vadd.f32 v2, v3;
	_ =	sdelay $0x1  }
0x28: {  	[tilespmem:$0x18100] =	vst v2  }
0x29: {  	[tilespmem:s18+$0x10100] =	vst v1;
	v1 =	vld [tilespmem:s18+$0x110]  }
0x2a: {  	v2 =	vld [tilespmem:s18+$0x8110];
	_ =	sdelay $0x4  }
0x2b: {  	v1 =	vsub.f32 v1, v2;
	_ =	sdelay $0x1  }
0x2c: {  	v1 =	vadd.f32 v1, v2  }
0x2d: {  	v3 =	vld [tilespmem:$0x18100]  }
0x2e: {  	v2 =	vsub.f32 v1, v2;
	_ =	sdelay $0x1  }
0x2f: {  	v2 =	vmul.f32 v2, v2;
	_ =	sdelay $0x1  }
0x30: {  	s19 =	simm.s32 $0x200;
	v2 =	vadd.f32 v2, v3  }
.LBB2_2:
0x31: {  	p0 =	sne.s32 s19, $0x1FE00;
	s20 =	smov.u32 s19;
	s19 =	sadd.s32 $0x200, s19  }
0x32: {  	s20 =	sshra.s32 s20, $0x2;
	[tilespmem:$0x18100] =	vst v2  }
0x33: {  	v2 =	vld [tilespmem:s20+$0x100];
	[tilespmem:s18+$0x10110] =	vst v1;
	s18 =	smov.u32 s20  }
0x34: {  	v1 =	vld [tilespmem:s18+$0x8100];
	_ =	sdelay $0x4  }
0x35: {  	v2 =	vsub.f32 v2, v1;
	_ =	sdelay $0x1  }
0x36: {  	v2 =	vadd.f32 v2, v1;
	v3 =	vld [tilespmem:$0x18100];
	_ =	sdelay $0x1  }
0x37: {  	v1 =	vsub.f32 v2, v1;
	_ =	sdelay $0x1  }
0x38: {  	v1 =	vmul.f32 v1, v1;
	_ =	sdelay $0x1  }
0x39: {  	v1 =	vadd.f32 v1, v3;
	_ =	sdelay $0x1  }
0x3a: {  	[tilespmem:$0x18100] =	vst v1  }
0x3b: {  	[tilespmem:s18+$0x10100] =	vst v2;
	v1 =	vld [tilespmem:s18+$0x110]  }
0x3c: {  	v2 =	vld [tilespmem:s18+$0x8110];
	_ =	sdelay $0x4  }
0x3d: {  	v1 =	vsub.f32 v1, v2  }
0x3e: {  	v3 =	vld [tilespmem:$0x18100]  }
0x3f: {  	v1 =	vadd.f32 v1, v2;
	_ =	sdelay $0x1  }
.Ltmp0:
0x40: {  	v2 =	vsub.f32 v1, v2;
	(pc) =	sbr.rel @p0 .LBB2_2-.Ltmp0, $3  }
0x41: {  	_ = 	snop  }
0x42: {  	v2 =	vmul.f32 v2, v2;
	_ =	sdelay $0x1  }
0x43: {  	v2 =	vadd.f32 v2, v3  }
0x44: {  	_ = 	snop  }
0x45: {  	[tilespmem:$0x18100] =	vst v2  }
0x46: {  	[tilespmem:s18+$0x10110] =	vst v1  }
0x47: {  	[hbm4b:s6+s2] =	stream.linear.scatter [tilespmem:s15], [sflag:$0x2], $0x8000, $0x38;
	[tilespmem:$0x18180] =	vst v63  }
0x48: {  	s17 =	sadd.s32 $0x1, s17;
	_ =	swait.ge [sflag:s9], $0x8000  }
0x49: {  	p0 =	sne.s32 s17, s8;
	[sflag:s9] =	ssyncset.done $0x0  }
.Ltmp1:
0x4a: {  	[sflag:s9] =	ssyncadd.s32 $0xFFFF8000;
	(pc) =	sbr.rel @p0 .LBB2_1-.Ltmp1, $4  }
0x4b: {  	[hbm4b:s7+s2] =	stream.linear.scatter [tilespmem:s16], [sflag:$0x2], $0x80, $0x38;
	[tilespmem:$0x18180] =	vst v63  }
0x4c: {  	_ =	swait.ge [sflag:s9], $0x80  }
0x4d: {  	[sflag:s9] =	ssyncset.done $0x0  }
0x4e: {  	[sflag:s9] =	ssyncadd.s32 $0xFFFFFF80  }
0x4f: {  	_ =	sfence.sel $0x180000  }
0x50: {  	[bflag:$0x0] =	sbarrier.arrive $0xFFFF  }
0x51: {  	p0 =	sne.s32 s1, $0x0;
	_ =	strace $0x90000047  }
0x52: {  	s0 =	sadd.s32 @!p0 $0x100000, s0;
	[bflag:$0x2] =	sbarrier.arrive $0xFFFF  }
0x53: {  	[sflag:s0] =	ssyncadd.tile.s32 @!p0 $0x1;
	_ =	shalt  }
.Lfunc_end2:
_tile_overlayer_lowered:
.L_overlay_start_2:
0x54: {  	(tag) =	ssettag $0x2  }
0x55: {  	s0 =	rddreg [dreg:$0x0];
	s2 =	stileid.u32  }
0x56: {  	s1 =	rddreg [dreg:$0x1];
	p0 =	sne.s32 s2, $0x0  }
0x57: {  	s3 =	rddreg [dreg:$0x2];
	[bflag:$0x3] =	sbarrier.arrive $0xFFFF;
	s2 =	simm.s32 @!p0 $0x1C02  }
0x58: {  	[timem:s3], [sflag:s2] =	dma.local @!p0 [hbm:s0], s1  }
0x59: {  	s0 =	simm.s32 @!p0 $0x2  }
0x5a: {  	_ =	swait.ge @!p0 [sflag:s0], s1  }
0x5b: {  	s1 =	ssub.s32 @!p0 $0x0, s1;
	[sflag:s0] =	ssyncset.done @!p0 $0x0  }
0x5c: {  	[sflag:s0] =	ssyncadd.s32 @!p0 s1  }
0x5d: {  	[bflag:$0x3] =	sbarrier.arrive $0xFFFF  }
0x5e: {  	_ =	shalt  }

</sc_bundles>
